<compile_context>
chip_gen: v7x
topology: tpu7x:2x2x1
jax: 0.10.2.dev20260603
libtpu: 0.0.44.dev20260713+nightly
codegen_flags: <defaults>
</compile_context>

<pallas_src>
import functools

import jax
import jax.numpy as jnp
from jax import lax
from jax.experimental import pallas as pl
from jax.experimental.pallas import tpu as pltpu
from jax.experimental.pallas import tpu_sc as plsc

_EPS = 1e-6
_NSEG = 256
_BINS = 512


@functools.cache
def _make_sc_counts(n_pad: int, n_per_w: int, nw: int):
    nvr = n_per_w // 16
    mesh = plsc.VectorSubcoreMesh(
        core_axis_name="c", subcore_axis_name="s", num_cores=1
    )

    @functools.partial(
        pl.kernel,
        out_type=jax.ShapeDtypeStruct((_NSEG,), jnp.float32),
        mesh=mesh,
        compiler_params=pltpu.CompilerParams(needs_layout_passes=False),
        scratch_types=[
            pltpu.VMEM((n_per_w,), jnp.int32),
            pltpu.VMEM((_BINS,), jnp.float32),
            pltpu.VMEM((16, _BINS), jnp.float32),
            pltpu.VMEM((16,), jnp.float32),
            pltpu.VMEM_SHARED((16, _BINS), jnp.float32),
        ],
    )
    def sc_k(ids_hbm, out_hbm, ids_v, bins_v, all_v, stage_v, sh_bins):
        sid = lax.axis_index("s")
        base = sid * n_per_w
        pltpu.sync_copy(ids_hbm.at[pl.ds(base, n_per_w)], ids_v)

        zero16 = jnp.zeros((16,), jnp.float32)
        ones16 = jnp.ones((16,), jnp.float32)

        def zero_body(j, carry):
            bins_v[pl.ds(j * 16, 16)] = zero16
            return carry

        lax.fori_loop(0, _BINS // 16, zero_body, 0)

        def acc_body(j, carry):
            idv = ids_v[pl.ds(j * 16, 16)]
            plsc.addupdate_scatter(bins_v, [idv], ones16)
            return carry

        lax.fori_loop(0, nvr, acc_body, 0)

        pltpu.sync_copy(bins_v, sh_bins.at[sid])
        plsc.subcore_barrier()
        pltpu.sync_copy(sh_bins, all_v)

        off = sid * 16
        acc = jnp.zeros((16,), jnp.float32)
        for r in range(16):
            acc = acc + all_v[r, pl.ds(off, 16)]
        stage_v[...] = acc
        pltpu.sync_copy(stage_v, out_hbm.at[pl.ds(off, 16)])

    return sc_k


def _partial_body(x_ref, ids_ref, o_ref):
    xb = x_ref[...]
    rowsq = jnp.sum(xb * xb, axis=1, keepdims=True)
    ids = ids_ref[0, 0, :]
    iota = lax.broadcasted_iota(jnp.int32, (1, _NSEG), 1)
    onehot = (ids[:, None] == iota).astype(jnp.float32)
    o_ref[...] = lax.dot_general(
        rowsq, onehot, (((0,), (0,)), ((), ())),
        preferred_element_type=jnp.float32,
    )


def _make_apply_body(nblk):
    def _apply_body(x_ref, ids_ref, p_ref, cnt_ref, w_ref, o_ref, scale_ref):
        i = pl.program_id(0)

        @pl.when(i == 0)
        def _():
            tot = p_ref[:, 0:_NSEG]
            for b in range(1, nblk):
                tot = tot + p_ref[:, b * _NSEG:(b + 1) * _NSEG]
            cnt = jnp.maximum(cnt_ref[...], 1.0)
            scale_ref[...] = lax.rsqrt(
                tot / (cnt * float(x_ref.shape[1])) + _EPS
            )

        ids = ids_ref[0, 0, :]
        iota = lax.broadcasted_iota(jnp.int32, (1, _NSEG), 1)
        onehot = (ids[:, None] == iota).astype(jnp.float32)
        rowscale = lax.dot_general(
            onehot, scale_ref[...], (((1,), (1,)), ((), ())),
            preferred_element_type=jnp.float32,
        )
        o_ref[...] = x_ref[...] * (w_ref[...] * rowscale)

    return _apply_body


def kernel(x, batch, weight):
    n, feat = x.shape
    ids = batch.astype(jnp.int32)

    nw = 16
    n_per_w = ((n + nw * 16 - 1) // (nw * 16)) * 16
    n_pad = nw * n_per_w
    ids_p = jnp.pad(ids, (0, n_pad - n), constant_values=_NSEG)
    counts = _make_sc_counts(n_pad, n_per_w, nw)(ids_p)

    nblk = 10
    rb = n // nblk
    ids3 = ids.reshape(nblk, 1, rb)
    w2 = weight.reshape(1, feat).astype(jnp.float32)
    c2 = counts.reshape(1, _NSEG)

    partials = pl.pallas_call(
        _partial_body,
        grid=(nblk,),
        in_specs=[
            pl.BlockSpec((rb, feat), lambda i: (i, 0)),
            pl.BlockSpec((1, 1, rb), lambda i: (i, 0, 0)),
        ],
        out_specs=pl.BlockSpec((1, _NSEG), lambda i: (0, i)),
        out_shape=jax.ShapeDtypeStruct((1, nblk * _NSEG), jnp.float32),
    )(x, ids3)

    out = pl.pallas_call(
        _make_apply_body(nblk),
        grid=(nblk,),
        in_specs=[
            pl.BlockSpec((rb, feat), lambda i: (i, 0)),
            pl.BlockSpec((1, 1, rb), lambda i: (i, 0, 0)),
            pl.BlockSpec((1, nblk * _NSEG), lambda i: (0, 0)),
            pl.BlockSpec((1, _NSEG), lambda i: (0, 0)),
            pl.BlockSpec((1, feat), lambda i: (0, 0)),
        ],
        out_specs=pl.BlockSpec((rb, feat), lambda i: (i, 0)),
        out_shape=jax.ShapeDtypeStruct((n, feat), x.dtype),
        scratch_shapes=[
            pltpu.VMEM((1, _NSEG), jnp.float32),
        ],
    )(x, ids3, partials, c2, w2)
    return out

# --- scband reference (transcript-rebuilt; emitter-appended) ---
"""Pipeline reference for scband-py-grmsnorm-82016695485249 (READ-ONLY COPY).

The authoritative reference and input builder live on the scoring server;
editing this copy changes nothing except your own understanding.
"""

import jax, jax.numpy as jnp
import numpy as np

NUM_SEGMENTS = 256
EPS = 1e-06

def setup_inputs(seed: int = 0) -> dict:
    key = jax.random.key(seed)
    k1, k2 = jax.random.split(key)
    x = jax.random.normal(k1, (100000, 128), dtype=jnp.float32)
    batch = jnp.sort(jax.random.randint(k2, (100000,), 0, NUM_SEGMENTS, dtype=jnp.int64))
    weight = jnp.ones((128,), dtype=jnp.float32)
    return {"x": x, "batch": batch, "weight": weight}

def reference(x, batch, weight):
    # scatter_mean of x^2 over segment ids, then gather back per-node
    x_squared = x ** 2
    seg_sums = jax.ops.segment_sum(x_squared, batch, num_segments=NUM_SEGMENTS)
    counts = jax.ops.segment_sum(jnp.ones((x.shape[0], 1), dtype=x.dtype), batch, num_segments=NUM_SEGMENTS)
    seg_mean = seg_sums / jnp.maximum(counts, 1.0)
    rms_squared = jnp.take(seg_mean, batch, axis=0)
    rms = jnp.sqrt(jnp.mean(rms_squared, axis=-1, keepdims=True) + EPS)
    return weight * (x / rms)

if __name__ == "__main__":
    import jax
    _d = setup_inputs()
    print(jax.jit(kernel)(*tuple(_d.values())))

</pallas_src>

<mosaic_0001>
#map = affine_map<(d0, d1) -> (0)>
module attributes {stable_mosaic.version = 14 : i64} {
  func.func @sc_k(%arg0: i32, %arg1: i32, %arg2: memref<100096xi32, #tpu.memory_space<hbm>>, %arg3: memref<256xf32, #tpu.memory_space<hbm>>, %arg4: memref<6256xi32, #tpu.memory_space<vmem>>, %arg5: memref<512xf32, #tpu.memory_space<vmem>>, %arg6: memref<16x512xf32, #tpu.memory_space<vmem>>, %arg7: memref<16xf32, #tpu.memory_space<vmem>>, %arg8: memref<16x512xf32, #tpu.memory_space<vmem_shared>>) attributes {dimension_semantics = [#tpu.dimension_semantics<core_parallel>, #tpu.dimension_semantics<subcore_parallel>], iteration_bounds = array<i64: 1, 16>, scalar_prefetch = 0 : i64, scratch_operands = 5 : i64, tpu.core_type = #tpu.core_type<sc_vector_subcore>, window_params = [{transform_indices = #map}, {transform_indices = #map}]} {
    %mul3A = arith.constant 6256 : i32
    %mul3A_0 = arith.muli %arg1, %mul3A : i32
    "tpu.region"() ({
      %run_scoped3A = tpu.sem_alloc : memref<!tpu.dma_semaphore, #tpu.memory_space<semaphore_mem>>
      %dma_start3A = tpu.memref_slice %arg2[%mul3A_0] : memref<100096xi32, #tpu.memory_space<hbm>> -> memref<6256xi32, #tpu.memory_space<hbm>>
      %dma_start3A_98 = tpu.memref_slice %arg2[%mul3A_0] : memref<100096xi32, #tpu.memory_space<hbm>> -> memref<6256xi32, #tpu.memory_space<hbm>>
      tpu.enqueue_dma source(%dma_start3A_98 : memref<6256xi32, #tpu.memory_space<hbm>>) target(%arg4 : memref<6256xi32, #tpu.memory_space<vmem>>) target_semaphore(%run_scoped3A : memref<!tpu.dma_semaphore, #tpu.memory_space<semaphore_mem>>)
      %dma_wait3A = tpu.memref_slice %arg2[%mul3A_0] : memref<100096xi32, #tpu.memory_space<hbm>> -> memref<6256xi32, #tpu.memory_space<hbm>>
      %dma_wait3A_99 = tpu.memref_slice %arg2[%mul3A_0] : memref<100096xi32, #tpu.memory_space<hbm>> -> memref<6256xi32, #tpu.memory_space<hbm>>
      tpu.wait_dma2 semaphore(%run_scoped3A : memref<!tpu.dma_semaphore, #tpu.memory_space<semaphore_mem>>) src(%dma_wait3A_99 : memref<6256xi32, #tpu.memory_space<hbm>>) dst(%arg4 : memref<6256xi32, #tpu.memory_space<vmem>>)
      tpu.yield
    }) : () -> ()
    %broadcast_in_dim3A = arith.constant 0.000000e+00 : f32
    %broadcast_in_dim3A_1 = vector.broadcast %broadcast_in_dim3A : f32 to vector<16xf32>
    %broadcast_in_dim3A_2 = arith.constant 1.000000e+00 : f32
    %broadcast_in_dim3A_3 = vector.broadcast %broadcast_in_dim3A_2 : f32 to vector<16xf32>
    %scan3A = arith.constant 0 : i32
    %scan3A_4 = arith.constant 0 : i32
    %scan3A_5 = arith.constant 32 : i32
    %scan3A_6 = arith.addi %scan3A_4, %scan3A_5 : i32
    %scan3A_7 = arith.constant 1 : i32
    scf.for %scan3A_98 = %scan3A_4 to %scan3A_6 step %scan3A_7  : i32 {
      %mul3A_99 = arith.constant 16 : i32
      %mul3A_100 = arith.muli %scan3A_98, %mul3A_99 : i32
      %swap3A_101 = arith.index_cast %mul3A_100 : i32 to index
      %swap3A_102 = tpu.vector_load %arg5[%swap3A_101] {strides = array<i32>} : memref<512xf32, #tpu.memory_space<vmem>>, vector<16xf32>,
      tpu.vector_store %arg5[%swap3A_101], %broadcast_in_dim3A_1 {strides = array<i32>} : memref<512xf32, #tpu.memory_space<vmem>>, vector<16xf32>,
    }
    %scan3A_8 = arith.constant 32 : i32
    %scan3A_9 = arith.constant 0 : i32
    %scan3A_10 = arith.constant 0 : i32
    %scan3A_11 = arith.constant 391 : i32
    %scan3A_12 = arith.addi %scan3A_10, %scan3A_11 : i32
    %scan3A_13 = arith.constant 1 : i32
    scf.for %scan3A_98 = %scan3A_10 to %scan3A_12 step %scan3A_13  : i32 {
      %mul3A_99 = arith.constant 16 : i32
      %mul3A_100 = arith.muli %scan3A_98, %mul3A_99 : i32
      %get3A_101 = arith.index_cast %mul3A_100 : i32 to index
      %get3A_102 = tpu.vector_load %arg4[%get3A_101] {strides = array<i32>} : memref<6256xi32, #tpu.memory_space<vmem>>, vector<16xi32>,
      tpu.vector_store_idx %arg5[%get3A_102], %broadcast_in_dim3A_3 {add = true} : memref<512xf32, #tpu.memory_space<vmem>>[vector<16xi32>], vector<16xf32>,
    }
    %scan3A_14 = arith.constant 391 : i32
    "tpu.region"() ({
      %run_scoped3A = tpu.sem_alloc : memref<!tpu.dma_semaphore, #tpu.memory_space<semaphore_mem>>
      %dma_start3A = arith.constant 0 : i32
      %dma_start3A_98 = tpu.memref_slice %arg8[%arg1, %dma_start3A] : memref<16x512xf32, #tpu.memory_space<vmem_shared>> -> memref<1x512xf32, #tpu.memory_space<vmem_shared>>
      %dma_start3A_99 = tpu.memref_squeeze %dma_start3A_98 : memref<1x512xf32, #tpu.memory_space<vmem_shared>> -> memref<512xf32, #tpu.memory_space<vmem_shared>>
      %dma_start3A_100 = arith.constant 0 : i32
      %dma_start3A_101 = tpu.memref_slice %arg8[%arg1, %dma_start3A_100] : memref<16x512xf32, #tpu.memory_space<vmem_shared>> -> memref<1x512xf32, #tpu.memory_space<vmem_shared>>
      %dma_start3A_102 = tpu.memref_squeeze %dma_start3A_101 : memref<1x512xf32, #tpu.memory_space<vmem_shared>> -> memref<512xf32, #tpu.memory_space<vmem_shared>>
      tpu.enqueue_dma source(%arg5 : memref<512xf32, #tpu.memory_space<vmem>>) target(%dma_start3A_102 : memref<512xf32, #tpu.memory_space<vmem_shared>>) target_semaphore(%run_scoped3A : memref<!tpu.dma_semaphore, #tpu.memory_space<semaphore_mem>>)
      %dma_wait3A = arith.constant 0 : i32
      %dma_wait3A_103 = tpu.memref_slice %arg8[%arg1, %dma_wait3A] : memref<16x512xf32, #tpu.memory_space<vmem_shared>> -> memref<1x512xf32, #tpu.memory_space<vmem_shared>>
      %dma_wait3A_104 = tpu.memref_squeeze %dma_wait3A_103 : memref<1x512xf32, #tpu.memory_space<vmem_shared>> -> memref<512xf32, #tpu.memory_space<vmem_shared>>
      %dma_wait3A_105 = arith.constant 0 : i32
      %dma_wait3A_106 = tpu.memref_slice %arg8[%arg1, %dma_wait3A_105] : memref<16x512xf32, #tpu.memory_space<vmem_shared>> -> memref<1x512xf32, #tpu.memory_space<vmem_shared>>
      %dma_wait3A_107 = tpu.memref_squeeze %dma_wait3A_106 : memref<1x512xf32, #tpu.memory_space<vmem_shared>> -> memref<512xf32, #tpu.memory_space<vmem_shared>>
      tpu.wait_dma2 semaphore(%run_scoped3A : memref<!tpu.dma_semaphore, #tpu.memory_space<semaphore_mem>>) src(%arg5 : memref<512xf32, #tpu.memory_space<vmem>>) dst(%dma_wait3A_107 : memref<512xf32, #tpu.memory_space<vmem_shared>>)
      tpu.yield
    }) : () -> ()
    %barrier3A = arith.constant 0 : index
    tpu.barrier barrier_id(%barrier3A)
    "tpu.region"() ({
      %run_scoped3A = tpu.sem_alloc : memref<!tpu.dma_semaphore, #tpu.memory_space<semaphore_mem>>
      tpu.enqueue_dma source(%arg8 : memref<16x512xf32, #tpu.memory_space<vmem_shared>>) target(%arg6 : memref<16x512xf32, #tpu.memory_space<vmem>>) target_semaphore(%run_scoped3A : memref<!tpu.dma_semaphore, #tpu.memory_space<semaphore_mem>>)
      tpu.wait_dma2 semaphore(%run_scoped3A : memref<!tpu.dma_semaphore, #tpu.memory_space<semaphore_mem>>) src(%arg8 : memref<16x512xf32, #tpu.memory_space<vmem_shared>>) dst(%arg6 : memref<16x512xf32, #tpu.memory_space<vmem>>)
      tpu.yield
    }) : () -> ()
    %mul3A_15 = arith.constant 16 : i32
    %mul3A_16 = arith.muli %arg1, %mul3A_15 : i32
    %broadcast_in_dim3A_17 = arith.constant 0.000000e+00 : f32
    %broadcast_in_dim3A_18 = vector.broadcast %broadcast_in_dim3A_17 : f32 to vector<16xf32>
    %get3A = arith.constant 0 : i32
    %get3A_19 = arith.index_cast %get3A : i32 to index
    %get3A_20 = arith.index_cast %mul3A_16 : i32 to index
    %get3A_21 = tpu.vector_load %arg6[%get3A_19, %get3A_20] {strides = array<i32>} : memref<16x512xf32, #tpu.memory_space<vmem>>, vector<16xf32>,
    %add3A = arith.addf %broadcast_in_dim3A_18, %get3A_21 : vector<16xf32>
    %get3A_22 = arith.constant 1 : i32
    %get3A_23 = arith.index_cast %get3A_22 : i32 to index
    %get3A_24 = arith.index_cast %mul3A_16 : i32 to index
    %get3A_25 = tpu.vector_load %arg6[%get3A_23, %get3A_24] {strides = array<i32>} : memref<16x512xf32, #tpu.memory_space<vmem>>, vector<16xf32>,
    %add3A_26 = arith.addf %add3A, %get3A_25 : vector<16xf32>
    %get3A_27 = arith.constant 2 : i32
    %get3A_28 = arith.index_cast %get3A_27 : i32 to index
    %get3A_29 = arith.index_cast %mul3A_16 : i32 to index
    %get3A_30 = tpu.vector_load %arg6[%get3A_28, %get3A_29] {strides = array<i32>} : memref<16x512xf32, #tpu.memory_space<vmem>>, vector<16xf32>,
    %add3A_31 = arith.addf %add3A_26, %get3A_30 : vector<16xf32>
    %get3A_32 = arith.constant 3 : i32
    %get3A_33 = arith.index_cast %get3A_32 : i32 to index
    %get3A_34 = arith.index_cast %mul3A_16 : i32 to index
    %get3A_35 = tpu.vector_load %arg6[%get3A_33, %get3A_34] {strides = array<i32>} : memref<16x512xf32, #tpu.memory_space<vmem>>, vector<16xf32>,
    %add3A_36 = arith.addf %add3A_31, %get3A_35 : vector<16xf32>
    %get3A_37 = arith.constant 4 : i32
    %get3A_38 = arith.index_cast %get3A_37 : i32 to index
    %get3A_39 = arith.index_cast %mul3A_16 : i32 to index
    %get3A_40 = tpu.vector_load %arg6[%get3A_38, %get3A_39] {strides = array<i32>} : memref<16x512xf32, #tpu.memory_space<vmem>>, vector<16xf32>,
    %add3A_41 = arith.addf %add3A_36, %get3A_40 : vector<16xf32>
    %get3A_42 = arith.constant 5 : i32
    %get3A_43 = arith.index_cast %get3A_42 : i32 to index
    %get3A_44 = arith.index_cast %mul3A_16 : i32 to index
    %get3A_45 = tpu.vector_load %arg6[%get3A_43, %get3A_44] {strides = array<i32>} : memref<16x512xf32, #tpu.memory_space<vmem>>, vector<16xf32>,
    %add3A_46 = arith.addf %add3A_41, %get3A_45 : vector<16xf32>
    %get3A_47 = arith.constant 6 : i32
    %get3A_48 = arith.index_cast %get3A_47 : i32 to index
    %get3A_49 = arith.index_cast %mul3A_16 : i32 to index
    %get3A_50 = tpu.vector_load %arg6[%get3A_48, %get3A_49] {strides = array<i32>} : memref<16x512xf32, #tpu.memory_space<vmem>>, vector<16xf32>,
    %add3A_51 = arith.addf %add3A_46, %get3A_50 : vector<16xf32>
    %get3A_52 = arith.constant 7 : i32
    %get3A_53 = arith.index_cast %get3A_52 : i32 to index
    %get3A_54 = arith.index_cast %mul3A_16 : i32 to index
    %get3A_55 = tpu.vector_load %arg6[%get3A_53, %get3A_54] {strides = array<i32>} : memref<16x512xf32, #tpu.memory_space<vmem>>, vector<16xf32>,
    %add3A_56 = arith.addf %add3A_51, %get3A_55 : vector<16xf32>
    %get3A_57 = arith.constant 8 : i32
    %get3A_58 = arith.index_cast %get3A_57 : i32 to index
    %get3A_59 = arith.index_cast %mul3A_16 : i32 to index
    %get3A_60 = tpu.vector_load %arg6[%get3A_58, %get3A_59] {strides = array<i32>} : memref<16x512xf32, #tpu.memory_space<vmem>>, vector<16xf32>,
    %add3A_61 = arith.addf %add3A_56, %get3A_60 : vector<16xf32>
    %get3A_62 = arith.constant 9 : i32
    %get3A_63 = arith.index_cast %get3A_62 : i32 to index
    %get3A_64 = arith.index_cast %mul3A_16 : i32 to index
    %get3A_65 = tpu.vector_load %arg6[%get3A_63, %get3A_64] {strides = array<i32>} : memref<16x512xf32, #tpu.memory_space<vmem>>, vector<16xf32>,
    %add3A_66 = arith.addf %add3A_61, %get3A_65 : vector<16xf32>
    %get3A_67 = arith.constant 10 : i32
    %get3A_68 = arith.index_cast %get3A_67 : i32 to index
    %get3A_69 = arith.index_cast %mul3A_16 : i32 to index
    %get3A_70 = tpu.vector_load %arg6[%get3A_68, %get3A_69] {strides = array<i32>} : memref<16x512xf32, #tpu.memory_space<vmem>>, vector<16xf32>,
    %add3A_71 = arith.addf %add3A_66, %get3A_70 : vector<16xf32>
    %get3A_72 = arith.constant 11 : i32
    %get3A_73 = arith.index_cast %get3A_72 : i32 to index
    %get3A_74 = arith.index_cast %mul3A_16 : i32 to index
    %get3A_75 = tpu.vector_load %arg6[%get3A_73, %get3A_74] {strides = array<i32>} : memref<16x512xf32, #tpu.memory_space<vmem>>, vector<16xf32>,
    %add3A_76 = arith.addf %add3A_71, %get3A_75 : vector<16xf32>
    %get3A_77 = arith.constant 12 : i32
    %get3A_78 = arith.index_cast %get3A_77 : i32 to index
    %get3A_79 = arith.index_cast %mul3A_16 : i32 to index
    %get3A_80 = tpu.vector_load %arg6[%get3A_78, %get3A_79] {strides = array<i32>} : memref<16x512xf32, #tpu.memory_space<vmem>>, vector<16xf32>,
    %add3A_81 = arith.addf %add3A_76, %get3A_80 : vector<16xf32>
    %get3A_82 = arith.constant 13 : i32
    %get3A_83 = arith.index_cast %get3A_82 : i32 to index
    %get3A_84 = arith.index_cast %mul3A_16 : i32 to index
    %get3A_85 = tpu.vector_load %arg6[%get3A_83, %get3A_84] {strides = array<i32>} : memref<16x512xf32, #tpu.memory_space<vmem>>, vector<16xf32>,
    %add3A_86 = arith.addf %add3A_81, %get3A_85 : vector<16xf32>
    %get3A_87 = arith.constant 14 : i32
    %get3A_88 = arith.index_cast %get3A_87 : i32 to index
    %get3A_89 = arith.index_cast %mul3A_16 : i32 to index
    %get3A_90 = tpu.vector_load %arg6[%get3A_88, %get3A_89] {strides = array<i32>} : memref<16x512xf32, #tpu.memory_space<vmem>>, vector<16xf32>,
    %add3A_91 = arith.addf %add3A_86, %get3A_90 : vector<16xf32>
    %get3A_92 = arith.constant 15 : i32
    %get3A_93 = arith.index_cast %get3A_92 : i32 to index
    %get3A_94 = arith.index_cast %mul3A_16 : i32 to index
    %get3A_95 = tpu.vector_load %arg6[%get3A_93, %get3A_94] {strides = array<i32>} : memref<16x512xf32, #tpu.memory_space<vmem>>, vector<16xf32>,
    %add3A_96 = arith.addf %add3A_91, %get3A_95 : vector<16xf32>
    %swap3A = arith.constant 0 : index
    %swap3A_97 = tpu.vector_load %arg7[%swap3A] {strides = array<i32>} : memref<16xf32, #tpu.memory_space<vmem>>, vector<16xf32>,
    tpu.vector_store %arg7[%swap3A], %add3A_96 {strides = array<i32>} : memref<16xf32, #tpu.memory_space<vmem>>, vector<16xf32>,
    "tpu.region"() ({
      %run_scoped3A = tpu.sem_alloc : memref<!tpu.dma_semaphore, #tpu.memory_space<semaphore_mem>>
      %dma_start3A = tpu.memref_slice %arg3[%mul3A_16] : memref<256xf32, #tpu.memory_space<hbm>> -> memref<16xf32, #tpu.memory_space<hbm>>
      %dma_start3A_98 = tpu.memref_slice %arg3[%mul3A_16] : memref<256xf32, #tpu.memory_space<hbm>> -> memref<16xf32, #tpu.memory_space<hbm>>
      tpu.enqueue_dma source(%arg7 : memref<16xf32, #tpu.memory_space<vmem>>) target(%dma_start3A_98 : memref<16xf32, #tpu.memory_space<hbm>>) target_semaphore(%run_scoped3A : memref<!tpu.dma_semaphore, #tpu.memory_space<semaphore_mem>>)
      %dma_wait3A = tpu.memref_slice %arg3[%mul3A_16] : memref<256xf32, #tpu.memory_space<hbm>> -> memref<16xf32, #tpu.memory_space<hbm>>
      %dma_wait3A_99 = tpu.memref_slice %arg3[%mul3A_16] : memref<256xf32, #tpu.memory_space<hbm>> -> memref<16xf32, #tpu.memory_space<hbm>>
      tpu.wait_dma2 semaphore(%run_scoped3A : memref<!tpu.dma_semaphore, #tpu.memory_space<semaphore_mem>>) src(%arg7 : memref<16xf32, #tpu.memory_space<vmem>>) dst(%dma_wait3A_99 : memref<16xf32, #tpu.memory_space<hbm>>)
      tpu.yield
    }) : () -> ()
    return
  }
}

module attributes {stable_mosaic.version = 14 : i64} {
  func.func @_apply_body(%arg0: i32, %arg1: memref<10000x128xf32, #tpu.memory_space<vmem>>, %arg2: memref<1x1x10000xi32, #tpu.memory_space<vmem>>, %arg3: memref<1x2560xf32, #tpu.memory_space<vmem>>, %arg4: memref<1x256xf32, #tpu.memory_space<vmem>>, %arg5: memref<1x128xf32, #tpu.memory_space<vmem>>, %arg6: memref<10000x128xf32, #tpu.memory_space<vmem>>, %arg7: memref<1x256xf32, #tpu.memory_space<vmem>>) attributes {dimension_semantics = [#tpu.dimension_semantics<arbitrary>], iteration_bounds = array<i64: 10>, scalar_prefetch = 0 : i64, scratch_operands = 1 : i64, tpu.core_type = #tpu.core_type<tc>, window_params = [{transform_indices = @transform_0, window_bounds = array<i64: 10000, 128>}, {transform_indices = @transform_1, window_bounds = array<i64: 1, 1, 10000>}, {pipeline_mode = #tpu.pipeline_mode<synchronous>, transform_indices = @transform_2, window_bounds = array<i64: 1, 2560>}, {pipeline_mode = #tpu.pipeline_mode<synchronous>, transform_indices = @transform_3, window_bounds = array<i64: 1, 256>}, {pipeline_mode = #tpu.pipeline_mode<synchronous>, transform_indices = @transform_4, window_bounds = array<i64: 1, 128>}, {transform_indices = @transform_5, window_bounds = array<i64: 10000, 128>}]} {
    %eq3A = arith.constant 0 : i32
    %eq3A_0 = arith.cmpi eq, %arg0, %eq3A : i32
    %convert_element_type3A = arith.extui %eq3A_0 : i1 to i32
    %cond3A = arith.constant 0 : i32
    %cond3A_1 = arith.cmpi ne, %convert_element_type3A, %cond3A : i32
    scf.if %cond3A_1 {
      %get3A_26 = arith.constant 0 : index
      %get3A_27 = arith.constant 0 : index
      %get3A_28 = vector.load %arg3[%get3A_26, %get3A_27] : memref<1x2560xf32, #tpu.memory_space<vmem>>, vector<1x256xf32>
      %get3A_29 = arith.constant 0 : index
      %get3A_30 = arith.constant 256 : index
      %get3A_31 = vector.load %arg3[%get3A_29, %get3A_30] : memref<1x2560xf32, #tpu.memory_space<vmem>>, vector<1x256xf32>
      %add3A = arith.addf %get3A_28, %get3A_31 : vector<1x256xf32>
      %get3A_32 = arith.constant 0 : index
      %get3A_33 = arith.constant 512 : index
      %get3A_34 = vector.load %arg3[%get3A_32, %get3A_33] : memref<1x2560xf32, #tpu.memory_space<vmem>>, vector<1x256xf32>
      %add3A_35 = arith.addf %add3A, %get3A_34 : vector<1x256xf32>
      %get3A_36 = arith.constant 0 : index
      %get3A_37 = arith.constant 768 : index
      %get3A_38 = vector.load %arg3[%get3A_36, %get3A_37] : memref<1x2560xf32, #tpu.memory_space<vmem>>, vector<1x256xf32>
      %add3A_39 = arith.addf %add3A_35, %get3A_38 : vector<1x256xf32>
      %get3A_40 = arith.constant 0 : index
      %get3A_41 = arith.constant 1024 : index
      %get3A_42 = vector.load %arg3[%get3A_40, %get3A_41] : memref<1x2560xf32, #tpu.memory_space<vmem>>, vector<1x256xf32>
      %add3A_43 = arith.addf %add3A_39, %get3A_42 : vector<1x256xf32>
      %get3A_44 = arith.constant 0 : index
      %get3A_45 = arith.constant 1280 : index
      %get3A_46 = vector.load %arg3[%get3A_44, %get3A_45] : memref<1x2560xf32, #tpu.memory_space<vmem>>, vector<1x256xf32>
      %add3A_47 = arith.addf %add3A_43, %get3A_46 : vector<1x256xf32>
      %get3A_48 = arith.constant 0 : index
      %get3A_49 = arith.constant 1536 : index
      %get3A_50 = vector.load %arg3[%get3A_48, %get3A_49] : memref<1x2560xf32, #tpu.memory_space<vmem>>, vector<1x256xf32>
      %add3A_51 = arith.addf %add3A_47, %get3A_50 : vector<1x256xf32>
      %get3A_52 = arith.constant 0 : index
      %get3A_53 = arith.constant 1792 : index
      %get3A_54 = vector.load %arg3[%get3A_52, %get3A_53] : memref<1x2560xf32, #tpu.memory_space<vmem>>, vector<1x256xf32>
      %add3A_55 = arith.addf %add3A_51, %get3A_54 : vector<1x256xf32>
      %get3A_56 = arith.constant 0 : index
      %get3A_57 = arith.constant 2048 : index
      %get3A_58 = vector.load %arg3[%get3A_56, %get3A_57] : memref<1x2560xf32, #tpu.memory_space<vmem>>, vector<1x256xf32>
      %add3A_59 = arith.addf %add3A_55, %get3A_58 : vector<1x256xf32>
      %get3A_60 = arith.constant 0 : index
      %get3A_61 = arith.constant 2304 : index
      %get3A_62 = vector.load %arg3[%get3A_60, %get3A_61] : memref<1x2560xf32, #tpu.memory_space<vmem>>, vector<1x256xf32>
      %add3A_63 = arith.addf %add3A_59, %get3A_62 : vector<1x256xf32>
      %get3A_64 = arith.constant 0 : index
      %get3A_65 = arith.constant 0 : index
      %get3A_66 = vector.load %arg4[%get3A_64, %get3A_65] : memref<1x256xf32, #tpu.memory_space<vmem>>, vector<1x256xf32>
      %max3A = arith.constant 1.000000e+00 : f32
      %max3A_67 = vector.broadcast %max3A : f32 to vector<1x256xf32>
      %max3A_68 = arith.maximumf %get3A_66, %max3A_67 : vector<1x256xf32>
      %mul3A_69 = arith.constant 1.280000e+02 : f32
      %mul3A_70 = vector.broadcast %mul3A_69 : f32 to vector<1x256xf32>
      %mul3A_71 = arith.mulf %max3A_68, %mul3A_70 : vector<1x256xf32>
      %div3A = arith.divf %add3A_63, %mul3A_71 : vector<1x256xf32>
      %add3A_72 = arith.constant 9.99999997E-7 : f32
      %add3A_73 = vector.broadcast %add3A_72 : f32 to vector<1x256xf32>
      %add3A_74 = arith.addf %div3A, %add3A_73 : vector<1x256xf32>
      %rsqrt3A = math.rsqrt %add3A_74 : vector<1x256xf32>
      %swap3A_75 = arith.constant 0 : index
      %swap3A_76 = arith.constant 0 : index
      %swap3A_77 = vector.load %arg7[%swap3A_75, %swap3A_76] : memref<1x256xf32, #tpu.memory_space<vmem>>, vector<1x256xf32>
      tpu.vector_store %arg7[%swap3A_75, %swap3A_76], %rsqrt3A {strides = array<i32>} : memref<1x256xf32, #tpu.memory_space<vmem>>, vector<1x256xf32>,
    } else {
    }
    %get3A = arith.constant 0 : index
    %get3A_2 = arith.constant 0 : index
    %get3A_3 = arith.constant 0 : index
    %get3A_4 = vector.load %arg2[%get3A, %get3A_2, %get3A_3] : memref<1x1x10000xi32, #tpu.memory_space<vmem>>, vector<1x1x10000xi32>
    %get3A_5 = vector.shape_cast %get3A_4 : vector<1x1x10000xi32> to vector<10000xi32>
    %iota3A = tpu.iota {dimensions = array<i32: 1>} : vector<1x256xi32>
    %broadcast_in_dim3A = vector.shape_cast %get3A_5 : vector<10000xi32> to vector<10000x1xi32>
    %eq3A_6 = vector.broadcast %broadcast_in_dim3A : vector<10000x1xi32> to vector<10000x256xi32>
    %eq3A_7 = vector.broadcast %iota3A : vector<1x256xi32> to vector<10000x256xi32>
    %eq3A_8 = arith.cmpi eq, %eq3A_6, %eq3A_7 : vector<10000x256xi32>
    %convert_element_type3A_9 = arith.extui %eq3A_8 : vector<10000x256xi1> to vector<10000x256xi32>
    %convert_element_type3A_10 = arith.sitofp %convert_element_type3A_9 : vector<10000x256xi32> to vector<10000x256xf32>
    %get3A_11 = arith.constant 0 : index
    %get3A_12 = arith.constant 0 : index
    %get3A_13 = vector.load %arg7[%get3A_11, %get3A_12] : memref<1x256xf32, #tpu.memory_space<vmem>>, vector<1x256xf32>
    %dot_general3A = arith.constant dense<0.000000e+00> : vector<10000x1xf32>
    %dot_general3A_14 = tpu.matmul %convert_element_type3A_10, %get3A_13, %dot_general3A {dimension_numbers = #tpu.dot_dimension_numbers<[1], [1], [0], [0], [0, 0, 1, 0], [], []>, transpose_lhs_hint = false} : vector<10000x256xf32>, vector<1x256xf32>, vector<10000x1xf32> -> vector<10000x1xf32>
    %get3A_15 = arith.constant 0 : index
    %get3A_16 = arith.constant 0 : index
    %get3A_17 = vector.load %arg1[%get3A_15, %get3A_16] : memref<10000x128xf32, #tpu.memory_space<vmem>>, vector<10000x128xf32>
    %get3A_18 = arith.constant 0 : index
    %get3A_19 = arith.constant 0 : index
    %get3A_20 = vector.load %arg5[%get3A_18, %get3A_19] : memref<1x128xf32, #tpu.memory_space<vmem>>, vector<1x128xf32>
    %mul3A = vector.broadcast %get3A_20 : vector<1x128xf32> to vector<10000x128xf32>
    %mul3A_21 = vector.broadcast %dot_general3A_14 : vector<10000x1xf32> to vector<10000x128xf32>
    %mul3A_22 = arith.mulf %mul3A, %mul3A_21 : vector<10000x128xf32>
    %mul3A_23 = arith.mulf %get3A_17, %mul3A_22 : vector<10000x128xf32>
    %swap3A = arith.constant 0 : index
    %swap3A_24 = arith.constant 0 : index
    %swap3A_25 = vector.load %arg6[%swap3A, %swap3A_24] : memref<10000x128xf32, #tpu.memory_space<vmem>>, vector<10000x128xf32>
    tpu.vector_store %arg6[%swap3A, %swap3A_24], %mul3A_23 {strides = array<i32>} : memref<10000x128xf32, #tpu.memory_space<vmem>>, vector<10000x128xf32>,
    return
  }
  func.func @transform_0(%arg0: i32) -> (i32, i32) {
    %c0_i32 = arith.constant 0 : i32
    %c0_i32_0 = arith.constant 0 : i32
    return %arg0, %c0_i32 : i32, i32
  }
  func.func @transform_1(%arg0: i32) -> (i32, i32, i32) {
    %c0_i32 = arith.constant 0 : i32
    %c0_i32_0 = arith.constant 0 : i32
    %c0_i32_1 = arith.constant 0 : i32
    return %arg0, %c0_i32, %c0_i32_0 : i32, i32, i32
  }
  func.func @transform_2(%arg0: i32) -> (i32, i32) {
    %c0_i32 = arith.constant 0 : i32
    %c0_i32_0 = arith.constant 0 : i32
    %c0_i32_1 = arith.constant 0 : i32
    return %c0_i32, %c0_i32_0 : i32, i32
  }
  func.func @transform_3(%arg0: i32) -> (i32, i32) {
    %c0_i32 = arith.constant 0 : i32
    %c0_i32_0 = arith.constant 0 : i32
    %c0_i32_1 = arith.constant 0 : i32
    return %c0_i32, %c0_i32_0 : i32, i32
  }
  func.func @transform_4(%arg0: i32) -> (i32, i32) {
    %c0_i32 = arith.constant 0 : i32
    %c0_i32_0 = arith.constant 0 : i32
    %c0_i32_1 = arith.constant 0 : i32
    return %c0_i32, %c0_i32_0 : i32, i32
  }
  func.func @transform_5(%arg0: i32) -> (i32, i32) {
    %c0_i32 = arith.constant 0 : i32
    %c0_i32_0 = arith.constant 0 : i32
    return %arg0, %c0_i32 : i32, i32
  }
}

module attributes {stable_mosaic.version = 14 : i64} {
  func.func @_partial_body(%arg0: i32, %arg1: memref<10000x128xf32, #tpu.memory_space<vmem>>, %arg2: memref<1x1x10000xi32, #tpu.memory_space<vmem>>, %arg3: memref<1x256xf32, #tpu.memory_space<vmem>>) attributes {dimension_semantics = [#tpu.dimension_semantics<arbitrary>], iteration_bounds = array<i64: 10>, scalar_prefetch = 0 : i64, scratch_operands = 0 : i64, tpu.core_type = #tpu.core_type<tc>, window_params = [{transform_indices = @transform_0, window_bounds = array<i64: 10000, 128>}, {transform_indices = @transform_1, window_bounds = array<i64: 1, 1, 10000>}, {transform_indices = @transform_2, window_bounds = array<i64: 1, 256>}]} {
    %get3A = arith.constant 0 : index
    %get3A_0 = arith.constant 0 : index
    %get3A_1 = vector.load %arg1[%get3A, %get3A_0] : memref<10000x128xf32, #tpu.memory_space<vmem>>, vector<10000x128xf32>
    %mul3A = arith.mulf %get3A_1, %get3A_1 : vector<10000x128xf32>
    %reduce_sum3A = arith.constant dense<0.000000e+00> : vector<10000xf32>
    %reduce_sum3A_2 = vector.multi_reduction <add>, %mul3A, %reduce_sum3A [1] : vector<10000x128xf32> to vector<10000xf32>
    %broadcast_in_dim3A = vector.shape_cast %reduce_sum3A_2 : vector<10000xf32> to vector<10000x1xf32>
    %get3A_3 = arith.constant 0 : index
    %get3A_4 = arith.constant 0 : index
    %get3A_5 = arith.constant 0 : index
    %get3A_6 = vector.load %arg2[%get3A_3, %get3A_4, %get3A_5] : memref<1x1x10000xi32, #tpu.memory_space<vmem>>, vector<1x1x10000xi32>
    %get3A_7 = vector.shape_cast %get3A_6 : vector<1x1x10000xi32> to vector<10000xi32>
    %iota3A = tpu.iota {dimensions = array<i32: 1>} : vector<1x256xi32>
    %broadcast_in_dim3A_8 = vector.shape_cast %get3A_7 : vector<10000xi32> to vector<10000x1xi32>
    %eq3A = vector.broadcast %broadcast_in_dim3A_8 : vector<10000x1xi32> to vector<10000x256xi32>
    %eq3A_9 = vector.broadcast %iota3A : vector<1x256xi32> to vector<10000x256xi32>
    %eq3A_10 = arith.cmpi eq, %eq3A, %eq3A_9 : vector<10000x256xi32>
    %convert_element_type3A = arith.extui %eq3A_10 : vector<10000x256xi1> to vector<10000x256xi32>
    %convert_element_type3A_11 = arith.sitofp %convert_element_type3A : vector<10000x256xi32> to vector<10000x256xf32>
    %dot_general3A = arith.constant dense<0.000000e+00> : vector<1x256xf32>
    %dot_general3A_12 = tpu.matmul %broadcast_in_dim3A, %convert_element_type3A_11, %dot_general3A {dimension_numbers = #tpu.dot_dimension_numbers<[0], [0], [1], [1], [0, 1, 1, 1], [], []>, transpose_lhs_hint = false} : vector<10000x1xf32>, vector<10000x256xf32>, vector<1x256xf32> -> vector<1x256xf32>
    %swap3A = arith.constant 0 : index
    %swap3A_13 = arith.constant 0 : index
    %swap3A_14 = vector.load %arg3[%swap3A, %swap3A_13] : memref<1x256xf32, #tpu.memory_space<vmem>>, vector<1x256xf32>
    tpu.vector_store %arg3[%swap3A, %swap3A_13], %dot_general3A_12 {strides = array<i32>} : memref<1x256xf32, #tpu.memory_space<vmem>>, vector<1x256xf32>,
    return
  }
  func.func @transform_0(%arg0: i32) -> (i32, i32) {
    %c0_i32 = arith.constant 0 : i32
    %c0_i32_0 = arith.constant 0 : i32
    return %arg0, %c0_i32 : i32, i32
  }
  func.func @transform_1(%arg0: i32) -> (i32, i32, i32) {
    %c0_i32 = arith.constant 0 : i32
    %c0_i32_0 = arith.constant 0 : i32
    %c0_i32_1 = arith.constant 0 : i32
    return %arg0, %c0_i32, %c0_i32_0 : i32, i32, i32
  }
  func.func @transform_2(%arg0: i32) -> (i32, i32) {
    %c0_i32 = arith.constant 0 : i32
    %c0_i32_0 = arith.constant 0 : i32
    return %c0_i32, %arg0 : i32, i32
  }
}

</mosaic_0001>

<sc_bundles>
// kernel: kernel.5.cloned.1.call-start
scs
__scs_entry_jumppad:
0x0: {  	(pc) =	sbr.rel $0x88, $3  }
0x1: {  	(tag) =	ssettag $0x0;
	lr =	simm.s32 $0x1  }
0x2: {  	[smem:$0x3F9E] =	sst lr;
	_ =	strace $0xD0000000  }
0x3: {  	_ = 	snop  }
0x4: {  	_ = 	snop  }
0x5: {  	_ = 	snop  }
0x6: {  	_ = 	snop  }
0x7: {  	_ = 	snop  }
__scs_overlays_trampoline_lowered:
0x8: {  	[smem:$0x3FAD] =	sst s0  }
0x9: {  	[smem:$0x3FAE] =	sst s1  }
0xa: {  	[smem:$0x3FAF] =	sst s2  }
0xb: {  	[smem:$0x3FB0] =	sst s3  }
0xc: {  	[smem:$0x3FB1] =	sst s4  }
0xd: {  	[smem:$0x3FB2] =	sst s5  }
0xe: {  	[smem:$0x3FB3] =	sst s6  }
0xf: {  	[smem:$0x3FB4] =	sst s7  }
0x10: {  	[smem:$0x3FB5] =	sst s8  }
0x11: {  	[smem:$0x3FB6] =	sst s9;
	s0 =	simm.s32 @!p0 $0x0  }
0x12: {  	s1 =	sld [smem:$0x3F9C];
	s0 =	simm.s32 @p0 $0x1  }
0x13: {  	[smem:$0x3FB7] =	sst s0;
	s0 =	simm.s32 @!p1 $0x0  }
0x14: {  	s2 =	sld [smem:$0x3F9B];
	s0 =	simm.s32 @p1 $0x1  }
0x15: {  	[smem:$0x3FB8] =	sst s0;
	s0 =	simm.s32 @!p2 $0x0  }
0x16: {  	s3 =	sld [smem:$0x3FDB];
	s0 =	simm.s32 @p2 $0x1  }
0x17: {  	s4 =	simm.s32 $0x1BF5;
	[smem:$0x3FBA] =	sst s0  }
0x18: {  	s0 =	sld [smem:$0x3F9D];
	_ =	swait.ge [sflag:s4], $0x0  }
0x19: {  	s7 =	sld [smem:$0x3F9E]  }
0x1a: {  	s8 =	sadd.s32 $0xFFFFE003, lr  }
0x1b: {  	s9 =	sadd.s32 $0xFFFFFEF7, lr;
	s5 =	simm.s32 $0xFFFFFFFF;
	p2 =	slt.u32 s8, $0xFFFFF086  }
0x1c: {  	p1 =	slt.u32 s9, $0xF7A;
	s5 =	simm.s32 @!p2 $0x0  }
0x1d: {  	s5 =	simm.s32 @p1 $0x1;
	p0 =	seq.s32 s7, s2  }
0x1e: {  	s7 =	smul.u32 @!p0 $0xF7A, s2;
	p2 =	seq.s32 @!p0 s5, $0x0  }
0x1f: {  	s9 =	smul.u32 $0xF7A, s1;
	s8 =	simm.s32 @!p0 $0x1BF5;
	p2 =	por !p2, p0  }
0x20: {  	[sflag:s8] =	ssyncset.s32 @!p0 $0xFFFFF086;
	s6 =	sadd.s32 @!p0 s3, s7;
	s7 =	simm.s32 @!p0 $0x108  }
0x21: {  	s3 =	sadd.s32 s3, s9;
	s6 =	sadd.s32 @!p0 $0x88, s6;
	s7 =	simm.s32 @p2 $0x1082  }
0x22: {  	[simem:s7], [sflag:s8] =	dma.local @!p0 [hbm:s6], $0xF7A  }
0x23: {  	s9 =	sor.u32 $0xD0000000, s2;
	s6 =	simm.s32 $0x108;
	_ =	swait.ge @!p0 [sflag:s8], $0x0  }
0x24: {  	s3 =	sadd.s32 $0x88, s3;
	s6 =	simm.s32 @!p1 $0x1082;
	[sflag:s4] =	ssyncset.s32 $0xFFFFF086  }
0x25: {  	[simem:s6], [sflag:s4] =	dma.local [hbm:s3], $0xF7A  }
0x26: {  	[smem:$0x3F9E] =	sst s1;
	(tag) =	ssettag s2;
	_ =	strace s9  }
0x27: {  	s1 =	sld [smem:$0x3FAE]  }
0x28: {  	s2 =	sld [smem:$0x3FAF]  }
0x29: {  	s4 =	sld [smem:$0x3FB1]  }
0x2a: {  	p0 =	seq.s32 s5, $0x0;
	s5 =	sld [smem:$0x3FB2]  }
0x2b: {  	s6 =	sld [smem:$0x3FB3]  }
0x2c: {  	s7 =	sld [smem:$0x3FB4]  }
0x2d: {  	s3 =	simm.s32 $0x108;
	s8 =	sld [smem:$0x3FB5]  }
0x2e: {  	s3 =	simm.s32 @!p0 $0x1082;
	s9 =	sld [smem:$0x3FB6]  }
0x2f: {  	lr =	sadd.s32 s0, s3;
	s0 =	sld [smem:$0x3FAD]  }
0x30: {  	s3 =	sld [smem:$0x3FB0]  }
0x31: {  	[smem:$0x3FB9] =	sst s10  }
0x32: {  	s10 =	sld [smem:$0x3FB7];
	_ =	sdelay $0x3  }
0x33: {  	p0 =	seq.s32 s10, $0x1;
	s10 =	sld [smem:$0x3FB9];
	_ =	sdelay $0x3  }
0x34: {  	[smem:$0x3FB9] =	sst s10  }
0x35: {  	s10 =	sld [smem:$0x3FB8];
	_ =	sdelay $0x3  }
0x36: {  	p1 =	seq.s32 s10, $0x1;
	s10 =	sld [smem:$0x3FB9];
	_ =	sdelay $0x3  }
0x37: {  	[smem:$0x3FB9] =	sst s10  }
0x38: {  	s10 =	sld [smem:$0x3FBA]  }
0x39: {  	_ = 	snop;
	(pc) =	sbr.ind lr, $3  }
0x3a: {  	_ = 	snop  }
0x3b: {  	_ = 	snop  }
0x3c: {  	p2 =	seq.s32 s10, $0x1;
	s10 =	sld [smem:$0x3FB9]  }
0x3d: {  	_ =	shalt  }
0x3e: {  	_ =	shalt  }
0x3f: {  	_ =	shalt  }
0x40: {  	_ =	shalt  }
0x41: {  	_ =	shalt  }
0x42: {  	_ =	shalt  }
0x43: {  	_ =	shalt  }
0x44: {  	_ =	shalt  }
0x45: {  	_ =	shalt  }
0x46: {  	_ =	shalt  }
0x47: {  	_ =	shalt  }
0x48: {  	_ =	shalt  }
0x49: {  	_ =	shalt  }
0x4a: {  	_ =	shalt  }
0x4b: {  	_ =	shalt  }
0x4c: {  	_ =	shalt  }
0x4d: {  	_ =	shalt  }
0x4e: {  	_ =	shalt  }
0x4f: {  	_ =	shalt  }
0x50: {  	_ =	shalt  }
0x51: {  	_ =	shalt  }
0x52: {  	_ =	shalt  }
0x53: {  	_ =	shalt  }
0x54: {  	_ =	shalt  }
0x55: {  	_ =	shalt  }
0x56: {  	_ =	shalt  }
0x57: {  	_ =	shalt  }
0x58: {  	_ =	shalt  }
0x59: {  	_ =	shalt  }
0x5a: {  	_ =	shalt  }
0x5b: {  	_ =	shalt  }
0x5c: {  	_ =	shalt  }
0x5d: {  	_ =	shalt  }
0x5e: {  	_ =	shalt  }
0x5f: {  	_ =	shalt  }
0x60: {  	_ =	shalt  }
0x61: {  	_ =	shalt  }
0x62: {  	_ =	shalt  }
0x63: {  	_ =	shalt  }
0x64: {  	_ =	shalt  }
0x65: {  	_ =	shalt  }
0x66: {  	_ =	shalt  }
0x67: {  	_ =	shalt  }
0x68: {  	_ =	shalt  }
0x69: {  	_ =	shalt  }
0x6a: {  	_ =	shalt  }
0x6b: {  	_ =	shalt  }
0x6c: {  	_ =	shalt  }
0x6d: {  	_ =	shalt  }
0x6e: {  	_ =	shalt  }
0x6f: {  	_ =	shalt  }
0x70: {  	_ =	shalt  }
0x71: {  	_ =	shalt  }
0x72: {  	_ =	shalt  }
0x73: {  	_ =	shalt  }
0x74: {  	_ =	shalt  }
0x75: {  	_ =	shalt  }
0x76: {  	_ =	shalt  }
0x77: {  	_ =	shalt  }
0x78: {  	_ =	shalt  }
0x79: {  	_ =	shalt  }
0x7a: {  	_ =	shalt  }
0x7b: {  	_ =	shalt  }
0x7c: {  	_ =	shalt  }
0x7d: {  	_ =	shalt  }
0x7e: {  	_ =	shalt  }
0x7f: {  	_ =	shalt  }
0x80: {  	_ =	shalt  }
0x81: {  	_ =	shalt  }
0x82: {  	_ =	shalt  }
0x83: {  	_ =	shalt  }
0x84: {  	_ =	shalt  }
0x85: {  	_ =	shalt  }
0x86: {  	_ =	shalt  }
0x87: {  	_ =	shalt  }
.Lfunc_end0:
.L_simem_size_0:
called_computation_lowered:
.L_overlay_start_0:
0x88: {  	s0 =	sld [smem:$0x3FD9]  }
0x89: {  	s1 =	sld [smem:$0x3FFE];
	_ =	sdelay $0x3  }
0x8a: {  	s0 =	sadd.s32 s1, s0  }
0x8b: {  	[smem:$0x3FC5] =	sst s0  }
0x8c: {  	_ = 	snop  }
0x8d: {  	s0 =	sld [smem:$0x3FD0];
	(tm) =	ssettm $0x1  }
0x8e: {  	s16 =	sld [smem:$0x3FFB];
	_ =	sdelay $0x3  }
0x8f: {  	_ =	strace s16  }
0x90: {  	s1 =	sld [smem:$0x3FFC];
	_ =	sdelay $0x3  }
0x91: {  	_ =	strace s1  }
0x92: {  	s1 =	sld [smem:$0x3FFD];
	_ =	sdelay $0x3  }
0x93: {  	_ =	strace s1  }
0x94: {  	_ =	strace $0x8FFFFFFF  }
0x95: {  	s17 =	sld [smem:$0x3FDB];
	_ =	sdelay $0x1  }
0x96: {  	s2 =	simm.s32 $_scs_section_size  }
0x97: {  	s3 =	simm.s32 $_size__tile_overlayer_lowered;
	s4 =	simm.s32 $_tile_overlayer_lowered  }
0x98: {  	s20 =	simm.s32 $0x1BFF;
	s19 =	sshll.u32 s4, $0x1;
	s1 =	sadd.s32 s2, s17  }
0x99: {  	s5 =	simm.s32 $0x0;
	s18 =	sshll.u32 s3, $0x1;
	s3 =	sadd.s32 s19, s1  }
0x9a: {  	[timem:s5], [sflag:s20] =	dma.local [hbm:s3], s18  }
0x9b: {  	_ =	swait.ge [sflag:s20], s18  }
0x9c: {  	s2 =	ssub.s32 $0x0, s18;
	[sflag:s20] =	ssyncset.done $0x0  }
0x9d: {  	[sflag:s20] =	ssyncadd.s32 s2;
	_ =	sdelay $0x1  }
0x9e: {  	s21 =	simm.s32 $0x1B8B  }
0x9f: {  	_ =	swait.ge [sflag:s21], $0x1  }
0xa0: {  	[sflag:s21] =	ssyncset.done $0x0  }
0xa1: {  	s23 =	simm.s32 $0x1B8E;
	s22 =	sld [smem:$0x3FFE];
	[sflag:s21] =	ssyncadd.s32 $0xFFFFFFFF  }
0xa2: {  	s24 =	simm.s32 $execute0_lowered;
	[smem:$0x3FD2] =	sst s23  }
0xa3: {  	s3 =	sshll.u32 s24, $0x1;
	_ =	strace $0x80000046;
	[dreg:$0x1] =	wrdreg $0xFFFFFFFF  }
0xa4: {  	s25 =	simm.s32 $_size_execute0_lowered;
	s1 =	sadd.s32 s1, s3;
	[dreg:$0x0] =	wrdreg $0x0  }
0xa5: {  	s3 =	sshll.u32 s25, $0x1;
	[dreg:$0x2] =	wrdreg s1  }
0xa6: {  	[dreg:$0x3] =	wrdreg s3  }
0xa7: {  	[dreg:$0x4] =	wrdreg $0xC0  }
0xa8: {  	_ =	task [dreg:s5], $0x5FFFF  }
0xa9: {  	[dreg:$0x1] =	wrdreg $0xFFFFFFFF  }
0xaa: {  	[dreg:$0x0] =	wrdreg $0x60  }
0xab: {  	[dreg:$0x2] =	wrdreg s0  }
0xac: {  	[dreg:$0x3] =	wrdreg s22  }
0xad: {  	[dreg:$0x4] =	wrdreg $0x3B000  }
0xae: {  	[dreg:$0x5] =	wrdreg $0x9  }
0xaf: {  	_ =	task.clear_ibuf [dreg:s5], $0x6FFFF;
	_ =	strace $0x90000046  }
0xb0: {  	s26 =	simm.s32 $0x9;
	_ =	strace $0x80000048  }
0xb1: {  	_ =	swait.ge [sflag:s26], $0x1  }
0xb2: {  	[sflag:s26] =	ssyncadd.s32 $0xFFFFFFFF  }
0xb3: {  	_ =	strace $0x90000048  }
0xb4: {  	_ =	sfence  }
0xb5: {  	s28 =	sld [smem:$0x0];
	_ =	sdelay $0x1  }
0xb6: {  	s29 =	srdreg.scid  }
0xb7: {  	s30 =	sshll.u32 s29, $0xD;
	s31 =	sshrl.u32 s29, $0x2  }
0xb8: {  	s2 =	sand.u32 $0x4000, s30;
	s1 =	sand.u32 $0x1, s29;
	s0 =	sadd.s32 s31, s28  }
0xb9: {  	s1 =	sor.u32 s2, s1;
	s0 =	sshll.u32 s0, $0x11  }
0xba: {  	s0 =	sor.u32 s0, s1  }
0xbb: {  	s0 =	sadd.s32 $0x8F2B, s0  }
0xbc: {  	[sflag:s0] =	ssyncadd.remote.s32 $0x1  }
0xbd: {  	_ =	sfence.sel $0xFFFF  }
0xbe: {  	[dreg:$0x0] =	wrdreg $0xFFFFFFFF;
	(pc) =	sbr.abs _section_cstart, $3  }
0xbf: {  	[dreg:$0x1] =	wrdreg $0xFFFFFFFF  }
0xc0: {  	_ =	task.clear_ibuf [dreg:s5], $0x2FFFF;
	_ =	strace $0x9FFFFFFF  }
0xc1: {  	(tm) =	ssettm $0x7FFFFFFF  }
tec
execute0_lowered:
.L_overlay_start_1:
0x0: {  	(tag) =	ssettag $0x1  }
0x1: {  	s3 =	rddreg [dreg:$0x0]  }
0x2: {  	s4 =	rddreg [dreg:$0x1]  }
0x3: {  	s2 =	rddreg [dreg:$0x2];
	s1 =	stileid.u32  }
0x4: {  	s0 =	rddreg [dreg:$0x3];
	s5 =	simm.s32 $0x0;
	s6 =	smul.u32 $0x30E, s1  }
0x5: {  	[smem:$0x7FF] =	sst s5  }
0x6: {  	s31 =	simm.s32 $0x1;
	_ =	strace $0x80000047;
	s3 =	sadd.s32 s3, s6  }
0x7: {  	[tilespmem:s5], [sflag:$0x1] =	stream.linear.gather [hbm4b:s3+s5], $0x1870, $0x38;
	[tilespmem:$0x3D00] =	vst v63  }
0x8: {  	_ =	swait.ge [sflag:s31], $0x1870  }
0x9: {  	[sflag:s31] =	ssyncset.done $0x0  }
0xa: {  	v0 =	vimm.f32 $0.0e+00;
	[sflag:s31] =	ssyncadd.s32 $0xFFFFE790  }
0xb: {  	[tilespmem:$0x1880] =	vst v0  }
0xc: {  	[tilespmem:$0x1890] =	vst v0  }
0xd: {  	[tilespmem:$0x18A0] =	vst v0  }
0xe: {  	[tilespmem:$0x18B0] =	vst v0  }
0xf: {  	[tilespmem:$0x18C0] =	vst v0  }
0x10: {  	[tilespmem:$0x18D0] =	vst v0  }
0x11: {  	[tilespmem:$0x18E0] =	vst v0  }
0x12: {  	[tilespmem:$0x18F0] =	vst v0  }
0x13: {  	[tilespmem:$0x1900] =	vst v0  }
0x14: {  	[tilespmem:$0x1910] =	vst v0  }
0x15: {  	[tilespmem:$0x1920] =	vst v0  }
0x16: {  	[tilespmem:$0x1930] =	vst v0  }
0x17: {  	[tilespmem:$0x1940] =	vst v0  }
0x18: {  	[tilespmem:$0x1950] =	vst v0  }
0x19: {  	[tilespmem:$0x1960] =	vst v0  }
0x1a: {  	[tilespmem:$0x1970] =	vst v0  }
0x1b: {  	[tilespmem:$0x1980] =	vst v0  }
0x1c: {  	[tilespmem:$0x1990] =	vst v0  }
0x1d: {  	[tilespmem:$0x19A0] =	vst v0  }
0x1e: {  	[tilespmem:$0x19B0] =	vst v0  }
0x1f: {  	[tilespmem:$0x19C0] =	vst v0  }
0x20: {  	[tilespmem:$0x19D0] =	vst v0  }
0x21: {  	[tilespmem:$0x19E0] =	vst v0  }
0x22: {  	[tilespmem:$0x19F0] =	vst v0  }
0x23: {  	[tilespmem:$0x1A00] =	vst v0  }
0x24: {  	[tilespmem:$0x1A10] =	vst v0  }
0x25: {  	[tilespmem:$0x1A20] =	vst v0  }
0x26: {  	[tilespmem:$0x1A30] =	vst v0  }
0x27: {  	[tilespmem:$0x1A40] =	vst v0  }
0x28: {  	[tilespmem:$0x1A50] =	vst v0  }
0x29: {  	s6 =	simm.s32 $0x0;
	[tilespmem:$0x1A60] =	vst v0  }
0x2a: {  	s3 =	sadd.s32 $0x800, s4;
	s4 =	simm.s32 $0x1880;
	s5 =	simm.s32 $0x40;
	[tilespmem:$0x1A70] =	vst v0;
	v0 =	vimm.f32 $1.000000000e+00  }
.LBB2_1:
0x2b: {  	p0 =	sne.s32 s5, $0x6180;
	v1 =	vld [tilespmem:s6+$0x0];
	_ =	sdelay $0x3  }
.Ltmp0:
0x2c: {  	(pc) =	sbr.rel @p0 .LBB2_1-.Ltmp0, $2  }
0x2d: {  	_ =	sdelay $0x2  }
0x2e: {  	s6 =	sshra.s32 s5, $0x2;
	s5 =	sadd.s32 $0x40, s5;
	[tilespmem:v1+s4+$0x0] =	vst.idx.add.f32.msk $0xffff, v0  }
0x2f: {  	v1 =	vld [tilespmem:s6+$0x0];
	_ =	sdelay $0x4  }
0x30: {  	s5 =	sshll.u32 s1, $0x9  }
0x31: {  	s21 =	sshll.u32 s1, $0x7;
	s22 =	simm.s32 $0x80;
	s5 =	sand.u32 $0x1000, s5  }
0x32: {  	s23 =	simm.s32 $0x400;
	s7 =	sand.u32 $0x380, s21;
	s5 =	sadd.s32 s5, s2  }
0x33: {  	s8 =	simm.s32 $0x1880;
	s24 =	simm.s32 $0x1;
	s5 =	sadd.s32 s7, s5;
	[tilespmem:v1+s4+$0x0] =	vst.idx.add.f32.msk $0xffff, v0  }
0x34: {  	[spmem:s5] =	stream.strided.scatter [tilespmem:s8], [sflag:$0x1], $0x200, s23, s22, $0x38;
	[tilespmem:$0x3D00] =	vst v63  }
0x35: {  	_ =	swait.ge [sflag:s24], $0x200  }
0x36: {  	[sflag:s24] =	ssyncset.done $0x0  }
0x37: {  	[sflag:s24] =	ssyncadd.s32 $0xFFFFFE00  }
0x38: {  	s25 =	simm.s32 $0x1A80;
	[bflag:$0x0] =	sbarrier.arrive $0xFFFF  }
0x39: {  	[tilespmem:s25], [sflag:$0x1] =	stream.linear.gather [spmem:s2], $0x2000, $0x38;
	[tilespmem:$0x3D00] =	vst v63  }
0x3a: {  	s26 =	sshll.u32 s1, $0x4;
	_ =	swait.ge [sflag:s24], $0x2000  }
0x3b: {  	s2 =	sor.u32 s21, s26;
	[sflag:s24] =	ssyncset.done $0x0  }
0x3c: {  	s28 =	sand.u32 $0x470, s2;
	[sflag:s24] =	ssyncadd.s32 $0xFFFFE000  }
0x3d: {  	v50 =	vld [tilespmem:s28+$0x1A80];
	_ =	sdelay $0x1  }
0x3e: {  	v51 =	vld [tilespmem:s28+$0x1B00];
	_ =	sdelay $0x1  }
0x3f: {  	v2 =	vld [tilespmem:s28+$0x1B80]  }
0x40: {  	v0 =	vadd.f32 $0.0e+00, v50  }
0x41: {  	v3 =	vld [tilespmem:s28+$0x1C00]  }
0x42: {  	v0 =	vadd.f32 v51, v0  }
0x43: {  	v52 =	vld [tilespmem:s28+$0x1C80]  }
0x44: {  	v0 =	vadd.f32 v2, v0  }
0x45: {  	v53 =	vld [tilespmem:s28+$0x1D00]  }
0x46: {  	v0 =	vadd.f32 v3, v0  }
0x47: {  	v54 =	vld [tilespmem:s28+$0x1D80]  }
0x48: {  	s2 =	sor.u32 $0x380, s2;
	v0 =	vadd.f32 v52, v0  }
0x49: {  	v55 =	vld [tilespmem:s2+$0x1A80]  }
0x4a: {  	v0 =	vadd.f32 v53, v0  }
0x4b: {  	v56 =	vld [tilespmem:s28+$0x2A80]  }
0x4c: {  	v0 =	vadd.f32 v54, v0  }
0x4d: {  	v57 =	vld [tilespmem:s28+$0x2B00]  }
0x4e: {  	v0 =	vadd.f32 v55, v0  }
0x4f: {  	v58 =	vld [tilespmem:s28+$0x2B80]  }
0x50: {  	v0 =	vadd.f32 v56, v0  }
0x51: {  	v59 =	vld [tilespmem:s28+$0x2C00]  }
0x52: {  	v0 =	vadd.f32 v57, v0  }
0x53: {  	v60 =	vld [tilespmem:s28+$0x2C80]  }
0x54: {  	v0 =	vadd.f32 v58, v0  }
0x55: {  	v61 =	vld [tilespmem:s28+$0x2D00]  }
0x56: {  	v0 =	vadd.f32 v59, v0  }
0x57: {  	v62 =	vld [tilespmem:s28+$0x2D80]  }
0x58: {  	v0 =	vadd.f32 v60, v0  }
0x59: {  	v63 =	vld [tilespmem:s28+$0x2E00]  }
0x5a: {  	v0 =	vadd.f32 v61, v0;
	_ =	sdelay $0x1  }
0x5b: {  	v0 =	vadd.f32 v62, v0;
	_ =	sdelay $0x1  }
0x5c: {  	v0 =	vadd.f32 v63, v0  }
0x5d: {  	s29 =	sshll.u32 s1, $0x1  }
0x5e: {  	s30 =	simm.s32 $0x0;
	s31 =	simm.s32 $0x3A80;
	s2 =	sadd.s32 s3, s29;
	[tilespmem:$0x3A80] =	vst v0  }
0x5f: {  	[hbm4b:s2+s30] =	stream.linear.scatter [tilespmem:s31], [sflag:$0x1], $0x10, $0x38;
	[tilespmem:$0x3D00] =	vst v63  }
0x60: {  	_ =	swait.ge [sflag:s24], $0x10  }
0x61: {  	[sflag:s24] =	ssyncset.done $0x0  }
0x62: {  	[sflag:s24] =	ssyncadd.s32 $0xFFFFFFF0  }
0x63: {  	_ =	sfence.sel $0x180000  }
0x64: {  	[bflag:$0x0] =	sbarrier.arrive $0xFFFF  }
0x65: {  	p0 =	sne.s32 s1, $0x0;
	_ =	strace $0x90000047  }
0x66: {  	s0 =	sadd.s32 @!p0 $0x100000, s0;
	[bflag:$0x2] =	sbarrier.arrive $0xFFFF  }
0x67: {  	[sflag:s0] =	ssyncadd.tile.s32 @!p0 $0x1;
	_ =	shalt  }
.Lfunc_end2:
_tile_overlayer_lowered:
.L_overlay_start_2:
0x68: {  	(tag) =	ssettag $0x2  }
0x69: {  	s0 =	rddreg [dreg:$0x0];
	s2 =	stileid.u32  }
0x6a: {  	s1 =	rddreg [dreg:$0x1];
	p0 =	sne.s32 s2, $0x0  }
0x6b: {  	s3 =	rddreg [dreg:$0x2];
	[bflag:$0x3] =	sbarrier.arrive $0xFFFF;
	s2 =	simm.s32 @!p0 $0x1C01  }
0x6c: {  	[timem:s3], [sflag:s2] =	dma.local @!p0 [hbm:s0], s1  }
0x6d: {  	s0 =	simm.s32 @!p0 $0x1  }
0x6e: {  	_ =	swait.ge @!p0 [sflag:s0], s1  }
0x6f: {  	s1 =	ssub.s32 @!p0 $0x0, s1;
	[sflag:s0] =	ssyncset.done @!p0 $0x0  }
0x70: {  	[sflag:s0] =	ssyncadd.s32 @!p0 s1  }
0x71: {  	[bflag:$0x3] =	sbarrier.arrive $0xFFFF  }
0x72: {  	_ =	shalt  }

</sc_bundles>
